<compile_context>
chip_gen: v7x
topology: tpu7x:2x2x1
jax: 0.10.2.dev20260603
libtpu: 0.0.44.dev20260713+nightly
codegen_flags: <defaults>
</compile_context>

<pallas_src>
import functools
import jax
import jax.numpy as jnp
from jax import lax
from jax.experimental import pallas as pl
from jax.experimental.pallas import tpu as pltpu
from jax.experimental.pallas import tpu_sc as plsc

_NW = 32
_UNROLL = 4


def _make_sc(B, S, D, R):
    rows_per_worker = S // _NW
    n_chunks = rows_per_worker // R
    CHUNK = R * D
    mesh = plsc.VectorSubcoreMesh(core_axis_name="c", subcore_axis_name="s")

    @functools.partial(
        pl.kernel,
        out_type=jax.ShapeDtypeStruct((B * S * D,), jnp.float32),
        mesh=mesh,
        scratch_types=[
            pltpu.VMEM((CHUNK,), jnp.float32),
            pltpu.VMEM((CHUNK,), jnp.float32),
        ],
    )
    def k(x_hbm, pe_hbm, out_hbm, pe_v, x_v):
        wid = lax.axis_index("s") * 2 + lax.axis_index("c")
        pe_base = wid * rows_per_worker * D

        def chunk_body(c, carry):
            pe_off = pe_base + c * CHUNK
            pltpu.sync_copy(pe_hbm.at[pl.ds(pe_off, CHUNK)], pe_v)

            def batch_body(b, carry2):
                x_off = b * (S * D) + pe_off
                pltpu.sync_copy(x_hbm.at[pl.ds(x_off, CHUNK)], x_v)

                def add_body(i, carry3):
                    base = i * (16 * _UNROLL)
                    for u in range(_UNROLL):
                        sl = pl.ds(base + u * 16, 16)
                        x_v[sl] = x_v[sl] + pe_v[sl]
                    return carry3

                lax.fori_loop(0, CHUNK // (16 * _UNROLL), add_body, 0)
                pltpu.sync_copy(x_v, out_hbm.at[pl.ds(x_off, CHUNK)])
                return carry2

            lax.fori_loop(0, B, batch_body, 0)
            return carry

        lax.fori_loop(0, n_chunks, chunk_body, 0)

    return k


def kernel(x, pe_weight):
    B, S, D = x.shape
    k = _make_sc(B, S, D, 32)
    out = k(x.reshape(-1), pe_weight.reshape(-1))
    return out.reshape(B, S, D)

# --- scband reference (transcript-rebuilt; emitter-appended) ---
"""Pipeline reference for scband-learnable-positional-encoding-23785528885373 (READ-ONLY COPY).

The authoritative reference and input builder live on the scoring server;
editing this copy changes nothing except your own understanding.
"""

import jax, jax.numpy as jnp
import numpy as np


def setup_inputs(seed: int = 0) -> dict:
    key = jax.random.key(seed)
    k1, k2 = jax.random.split(key)
    x = jax.random.normal(k1, (4, 8192, 768), dtype=jnp.float32)
    # nn.Embedding(max_len=8192, d_model=768) weight, init normal std=0.02
    pe_weight = jax.random.normal(k2, (8192, 768), dtype=jnp.float32) * 0.02
    return {"x": x, "pe_weight": pe_weight}


def reference(x, pe_weight):
    # positions = arange(seq_len), embedding lookup, broadcast-add over batch.
    # dropout=0.0 -> identity.
    positions = jnp.arange(x.shape[1])
    pe = jnp.take(pe_weight, positions, axis=0)  # [S, d_model]
    return x + pe[None, :, :]

if __name__ == "__main__":
    import jax
    _d = setup_inputs()
    print(jax.jit(kernel)(*tuple(_d.values())))

</pallas_src>

<mosaic_0001>
#map = affine_map<(d0, d1) -> (0)>
module attributes {stable_mosaic.version = 14 : i64} {
  func.func @k(%arg0: i32, %arg1: i32, %arg2: memref<25165824xf32, #tpu.memory_space<hbm>>, %arg3: memref<6291456xf32, #tpu.memory_space<hbm>>, %arg4: memref<25165824xf32, #tpu.memory_space<hbm>>, %arg5: memref<24576xf32, #tpu.memory_space<vmem>>, %arg6: memref<24576xf32, #tpu.memory_space<vmem>>) attributes {dimension_semantics = [#tpu.dimension_semantics<core_parallel>, #tpu.dimension_semantics<subcore_parallel>], iteration_bounds = array<i64: 2, 16>, scalar_prefetch = 0 : i64, scratch_operands = 2 : i64, tpu.core_type = #tpu.core_type<sc_vector_subcore>, window_params = [{transform_indices = #map}, {transform_indices = #map}, {transform_indices = #map}]} {
    %mul3A = arith.constant 2 : i32
    %mul3A_0 = arith.muli %arg1, %mul3A : i32
    %add3A = arith.addi %mul3A_0, %arg0 : i32
    %mul3A_1 = arith.constant 256 : i32
    %mul3A_2 = arith.muli %add3A, %mul3A_1 : i32
    %mul3A_3 = arith.constant 768 : i32
    %mul3A_4 = arith.muli %mul3A_2, %mul3A_3 : i32
    %scan3A = arith.constant 0 : i32
    %scan3A_5 = arith.constant 0 : i32
    %scan3A_6 = arith.constant 8 : i32
    %scan3A_7 = arith.addi %scan3A_5, %scan3A_6 : i32
    %scan3A_8 = arith.constant 1 : i32
    scf.for %scan3A_10 = %scan3A_5 to %scan3A_7 step %scan3A_8  : i32 {
      %mul3A_11 = arith.constant 24576 : i32
      %mul3A_12 = arith.muli %scan3A_10, %mul3A_11 : i32
      %add3A_13 = arith.addi %mul3A_4, %mul3A_12 : i32
      "tpu.region"() ({
        %run_scoped3A = tpu.sem_alloc : memref<!tpu.dma_semaphore, #tpu.memory_space<semaphore_mem>>
        %dma_start3A = tpu.memref_slice %arg3[%add3A_13] : memref<6291456xf32, #tpu.memory_space<hbm>> -> memref<24576xf32, #tpu.memory_space<hbm>>
        %dma_start3A_20 = tpu.memref_slice %arg3[%add3A_13] : memref<6291456xf32, #tpu.memory_space<hbm>> -> memref<24576xf32, #tpu.memory_space<hbm>>
        tpu.enqueue_dma source(%dma_start3A_20 : memref<24576xf32, #tpu.memory_space<hbm>>) target(%arg5 : memref<24576xf32, #tpu.memory_space<vmem>>) target_semaphore(%run_scoped3A : memref<!tpu.dma_semaphore, #tpu.memory_space<semaphore_mem>>)
        %dma_wait3A = tpu.memref_slice %arg3[%add3A_13] : memref<6291456xf32, #tpu.memory_space<hbm>> -> memref<24576xf32, #tpu.memory_space<hbm>>
        %dma_wait3A_21 = tpu.memref_slice %arg3[%add3A_13] : memref<6291456xf32, #tpu.memory_space<hbm>> -> memref<24576xf32, #tpu.memory_space<hbm>>
        tpu.wait_dma2 semaphore(%run_scoped3A : memref<!tpu.dma_semaphore, #tpu.memory_space<semaphore_mem>>) src(%dma_wait3A_21 : memref<24576xf32, #tpu.memory_space<hbm>>) dst(%arg5 : memref<24576xf32, #tpu.memory_space<vmem>>)
        tpu.yield
      }) : () -> ()
      %scan3A_14 = arith.constant 0 : i32
      %scan3A_15 = arith.constant 0 : i32
      %scan3A_16 = arith.constant 4 : i32
      %scan3A_17 = arith.addi %scan3A_15, %scan3A_16 : i32
      %scan3A_18 = arith.constant 1 : i32
      scf.for %scan3A_20 = %scan3A_15 to %scan3A_17 step %scan3A_18  : i32 {
        %mul3A_21 = arith.constant 6291456 : i32
        %mul3A_22 = arith.muli %scan3A_20, %mul3A_21 : i32
        %add3A_23 = arith.addi %mul3A_22, %add3A_13 : i32
        "tpu.region"() ({
          %run_scoped3A = tpu.sem_alloc : memref<!tpu.dma_semaphore, #tpu.memory_space<semaphore_mem>>
          %dma_start3A = tpu.memref_slice %arg2[%add3A_23] : memref<25165824xf32, #tpu.memory_space<hbm>> -> memref<24576xf32, #tpu.memory_space<hbm>>
          %dma_start3A_30 = tpu.memref_slice %arg2[%add3A_23] : memref<25165824xf32, #tpu.memory_space<hbm>> -> memref<24576xf32, #tpu.memory_space<hbm>>
          tpu.enqueue_dma source(%dma_start3A_30 : memref<24576xf32, #tpu.memory_space<hbm>>) target(%arg6 : memref<24576xf32, #tpu.memory_space<vmem>>) target_semaphore(%run_scoped3A : memref<!tpu.dma_semaphore, #tpu.memory_space<semaphore_mem>>)
          %dma_wait3A = tpu.memref_slice %arg2[%add3A_23] : memref<25165824xf32, #tpu.memory_space<hbm>> -> memref<24576xf32, #tpu.memory_space<hbm>>
          %dma_wait3A_31 = tpu.memref_slice %arg2[%add3A_23] : memref<25165824xf32, #tpu.memory_space<hbm>> -> memref<24576xf32, #tpu.memory_space<hbm>>
          tpu.wait_dma2 semaphore(%run_scoped3A : memref<!tpu.dma_semaphore, #tpu.memory_space<semaphore_mem>>) src(%dma_wait3A_31 : memref<24576xf32, #tpu.memory_space<hbm>>) dst(%arg6 : memref<24576xf32, #tpu.memory_space<vmem>>)
          tpu.yield
        }) : () -> ()
        %scan3A_24 = arith.constant 0 : i32
        %scan3A_25 = arith.constant 0 : i32
        %scan3A_26 = arith.constant 384 : i32
        %scan3A_27 = arith.addi %scan3A_25, %scan3A_26 : i32
        %scan3A_28 = arith.constant 1 : i32
        scf.for %scan3A_30 = %scan3A_25 to %scan3A_27 step %scan3A_28  : i32 {
          %mul3A_31 = arith.constant 64 : i32
          %mul3A_32 = arith.muli %scan3A_30, %mul3A_31 : i32
          %add3A_33 = arith.constant 0 : i32
          %add3A_34 = arith.addi %mul3A_32, %add3A_33 : i32
          %get3A = arith.index_cast %add3A_34 : i32 to index
          %get3A_35 = tpu.vector_load %arg6[%get3A] {strides = array<i32>} : memref<24576xf32, #tpu.memory_space<vmem>>, vector<16xf32>,
          %get3A_36 = vector.shape_cast %get3A_35 : vector<16xf32> to vector<16xf32>
          %get3A_37 = arith.index_cast %add3A_34 : i32 to index
          %get3A_38 = tpu.vector_load %arg5[%get3A_37] {strides = array<i32>} : memref<24576xf32, #tpu.memory_space<vmem>>, vector<16xf32>,
          %get3A_39 = vector.shape_cast %get3A_38 : vector<16xf32> to vector<16xf32>
          %add3A_40 = arith.addf %get3A_36, %get3A_39 : vector<16xf32>
          %swap3A = arith.index_cast %add3A_34 : i32 to index
          %swap3A_41 = tpu.vector_load %arg6[%swap3A] {strides = array<i32>} : memref<24576xf32, #tpu.memory_space<vmem>>, vector<16xf32>,
          %swap3A_42 = vector.shape_cast %swap3A_41 : vector<16xf32> to vector<16xf32>
          %swap3A_43 = vector.shape_cast %add3A_40 : vector<16xf32> to vector<16xf32>
          tpu.vector_store %arg6[%swap3A], %swap3A_43 {strides = array<i32>} : memref<24576xf32, #tpu.memory_space<vmem>>, vector<16xf32>,
          %add3A_44 = arith.constant 16 : i32
          %add3A_45 = arith.addi %mul3A_32, %add3A_44 : i32
          %get3A_46 = arith.index_cast %add3A_45 : i32 to index
          %get3A_47 = tpu.vector_load %arg6[%get3A_46] {strides = array<i32>} : memref<24576xf32, #tpu.memory_space<vmem>>, vector<16xf32>,
          %get3A_48 = vector.shape_cast %get3A_47 : vector<16xf32> to vector<16xf32>
          %get3A_49 = arith.index_cast %add3A_45 : i32 to index
          %get3A_50 = tpu.vector_load %arg5[%get3A_49] {strides = array<i32>} : memref<24576xf32, #tpu.memory_space<vmem>>, vector<16xf32>,
          %get3A_51 = vector.shape_cast %get3A_50 : vector<16xf32> to vector<16xf32>
          %add3A_52 = arith.addf %get3A_48, %get3A_51 : vector<16xf32>
          %swap3A_53 = arith.index_cast %add3A_45 : i32 to index
          %swap3A_54 = tpu.vector_load %arg6[%swap3A_53] {strides = array<i32>} : memref<24576xf32, #tpu.memory_space<vmem>>, vector<16xf32>,
          %swap3A_55 = vector.shape_cast %swap3A_54 : vector<16xf32> to vector<16xf32>
          %swap3A_56 = vector.shape_cast %add3A_52 : vector<16xf32> to vector<16xf32>
          tpu.vector_store %arg6[%swap3A_53], %swap3A_56 {strides = array<i32>} : memref<24576xf32, #tpu.memory_space<vmem>>, vector<16xf32>,
          %add3A_57 = arith.constant 32 : i32
          %add3A_58 = arith.addi %mul3A_32, %add3A_57 : i32
          %get3A_59 = arith.index_cast %add3A_58 : i32 to index
          %get3A_60 = tpu.vector_load %arg6[%get3A_59] {strides = array<i32>} : memref<24576xf32, #tpu.memory_space<vmem>>, vector<16xf32>,
          %get3A_61 = vector.shape_cast %get3A_60 : vector<16xf32> to vector<16xf32>
          %get3A_62 = arith.index_cast %add3A_58 : i32 to index
          %get3A_63 = tpu.vector_load %arg5[%get3A_62] {strides = array<i32>} : memref<24576xf32, #tpu.memory_space<vmem>>, vector<16xf32>,
          %get3A_64 = vector.shape_cast %get3A_63 : vector<16xf32> to vector<16xf32>
          %add3A_65 = arith.addf %get3A_61, %get3A_64 : vector<16xf32>
          %swap3A_66 = arith.index_cast %add3A_58 : i32 to index
          %swap3A_67 = tpu.vector_load %arg6[%swap3A_66] {strides = array<i32>} : memref<24576xf32, #tpu.memory_space<vmem>>, vector<16xf32>,
          %swap3A_68 = vector.shape_cast %swap3A_67 : vector<16xf32> to vector<16xf32>
          %swap3A_69 = vector.shape_cast %add3A_65 : vector<16xf32> to vector<16xf32>
          tpu.vector_store %arg6[%swap3A_66], %swap3A_69 {strides = array<i32>} : memref<24576xf32, #tpu.memory_space<vmem>>, vector<16xf32>,
          %add3A_70 = arith.constant 48 : i32
          %add3A_71 = arith.addi %mul3A_32, %add3A_70 : i32
          %get3A_72 = arith.index_cast %add3A_71 : i32 to index
          %get3A_73 = tpu.vector_load %arg6[%get3A_72] {strides = array<i32>} : memref<24576xf32, #tpu.memory_space<vmem>>, vector<16xf32>,
          %get3A_74 = vector.shape_cast %get3A_73 : vector<16xf32> to vector<16xf32>
          %get3A_75 = arith.index_cast %add3A_71 : i32 to index
          %get3A_76 = tpu.vector_load %arg5[%get3A_75] {strides = array<i32>} : memref<24576xf32, #tpu.memory_space<vmem>>, vector<16xf32>,
          %get3A_77 = vector.shape_cast %get3A_76 : vector<16xf32> to vector<16xf32>
          %add3A_78 = arith.addf %get3A_74, %get3A_77 : vector<16xf32>
          %swap3A_79 = arith.index_cast %add3A_71 : i32 to index
          %swap3A_80 = tpu.vector_load %arg6[%swap3A_79] {strides = array<i32>} : memref<24576xf32, #tpu.memory_space<vmem>>, vector<16xf32>,
          %swap3A_81 = vector.shape_cast %swap3A_80 : vector<16xf32> to vector<16xf32>
          %swap3A_82 = vector.shape_cast %add3A_78 : vector<16xf32> to vector<16xf32>
          tpu.vector_store %arg6[%swap3A_79], %swap3A_82 {strides = array<i32>} : memref<24576xf32, #tpu.memory_space<vmem>>, vector<16xf32>,
        }
        %scan3A_29 = arith.constant 384 : i32
        "tpu.region"() ({
          %run_scoped3A = tpu.sem_alloc : memref<!tpu.dma_semaphore, #tpu.memory_space<semaphore_mem>>
          %dma_start3A = tpu.memref_slice %arg4[%add3A_23] : memref<25165824xf32, #tpu.memory_space<hbm>> -> memref<24576xf32, #tpu.memory_space<hbm>>
          %dma_start3A_30 = tpu.memref_slice %arg4[%add3A_23] : memref<25165824xf32, #tpu.memory_space<hbm>> -> memref<24576xf32, #tpu.memory_space<hbm>>
          tpu.enqueue_dma source(%arg6 : memref<24576xf32, #tpu.memory_space<vmem>>) target(%dma_start3A_30 : memref<24576xf32, #tpu.memory_space<hbm>>) target_semaphore(%run_scoped3A : memref<!tpu.dma_semaphore, #tpu.memory_space<semaphore_mem>>)
          %dma_wait3A = tpu.memref_slice %arg4[%add3A_23] : memref<25165824xf32, #tpu.memory_space<hbm>> -> memref<24576xf32, #tpu.memory_space<hbm>>
          %dma_wait3A_31 = tpu.memref_slice %arg4[%add3A_23] : memref<25165824xf32, #tpu.memory_space<hbm>> -> memref<24576xf32, #tpu.memory_space<hbm>>
          tpu.wait_dma2 semaphore(%run_scoped3A : memref<!tpu.dma_semaphore, #tpu.memory_space<semaphore_mem>>) src(%arg6 : memref<24576xf32, #tpu.memory_space<vmem>>) dst(%dma_wait3A_31 : memref<24576xf32, #tpu.memory_space<hbm>>)
          tpu.yield
        }) : () -> ()
      }
      %scan3A_19 = arith.constant 4 : i32
    }
    %scan3A_9 = arith.constant 8 : i32
    return
  }
}

</mosaic_0001>

<sc_bundles>
// kernel: kernel.3.cloned.1.call-start
scs
__scs_entry_jumppad:
0x0: {  	(pc) =	sbr.rel $0x88, $3  }
0x1: {  	(tag) =	ssettag $0x0;
	lr =	simm.s32 $0x1  }
0x2: {  	[smem:$0x3F9F] =	sst lr;
	_ =	strace $0xD0000000  }
0x3: {  	_ = 	snop  }
0x4: {  	_ = 	snop  }
0x5: {  	_ = 	snop  }
0x6: {  	_ = 	snop  }
0x7: {  	_ = 	snop  }
__scs_overlays_trampoline_lowered:
0x8: {  	[smem:$0x3FAE] =	sst s0  }
0x9: {  	[smem:$0x3FAF] =	sst s1  }
0xa: {  	[smem:$0x3FB0] =	sst s2  }
0xb: {  	[smem:$0x3FB1] =	sst s3  }
0xc: {  	[smem:$0x3FB2] =	sst s4  }
0xd: {  	[smem:$0x3FB3] =	sst s5  }
0xe: {  	[smem:$0x3FB4] =	sst s6  }
0xf: {  	[smem:$0x3FB5] =	sst s7  }
0x10: {  	[smem:$0x3FB6] =	sst s8  }
0x11: {  	[smem:$0x3FB7] =	sst s9;
	s0 =	simm.s32 @!p0 $0x0  }
0x12: {  	s1 =	sld [smem:$0x3F9D];
	s0 =	simm.s32 @p0 $0x1  }
0x13: {  	[smem:$0x3FB8] =	sst s0;
	s0 =	simm.s32 @!p1 $0x0  }
0x14: {  	s2 =	sld [smem:$0x3F9C];
	s0 =	simm.s32 @p1 $0x1  }
0x15: {  	[smem:$0x3FB9] =	sst s0;
	s0 =	simm.s32 @!p2 $0x0  }
0x16: {  	s3 =	sld [smem:$0x3FDB];
	s0 =	simm.s32 @p2 $0x1  }
0x17: {  	s4 =	simm.s32 $0x1BF5;
	[smem:$0x3FBB] =	sst s0  }
0x18: {  	s0 =	sld [smem:$0x3F9E];
	_ =	swait.ge [sflag:s4], $0x0  }
0x19: {  	s7 =	sld [smem:$0x3F9F]  }
0x1a: {  	s8 =	sadd.s32 $0xFFFFE003, lr  }
0x1b: {  	s9 =	sadd.s32 $0xFFFFFEF7, lr;
	s5 =	simm.s32 $0xFFFFFFFF;
	p2 =	slt.u32 s8, $0xFFFFF086  }
0x1c: {  	p1 =	slt.u32 s9, $0xF7A;
	s5 =	simm.s32 @!p2 $0x0  }
0x1d: {  	s5 =	simm.s32 @p1 $0x1;
	p0 =	seq.s32 s7, s2  }
0x1e: {  	s7 =	smul.u32 @!p0 $0xF7A, s2;
	p2 =	seq.s32 @!p0 s5, $0x0  }
0x1f: {  	s9 =	smul.u32 $0xF7A, s1;
	s8 =	simm.s32 @!p0 $0x1BF5;
	p2 =	por !p2, p0  }
0x20: {  	[sflag:s8] =	ssyncset.s32 @!p0 $0xFFFFF086;
	s6 =	sadd.s32 @!p0 s3, s7;
	s7 =	simm.s32 @!p0 $0x108  }
0x21: {  	s3 =	sadd.s32 s3, s9;
	s6 =	sadd.s32 @!p0 $0x88, s6;
	s7 =	simm.s32 @p2 $0x1082  }
0x22: {  	[simem:s7], [sflag:s8] =	dma.local @!p0 [hbm:s6], $0xF7A  }
0x23: {  	s9 =	sor.u32 $0xD0000000, s2;
	s6 =	simm.s32 $0x108;
	_ =	swait.ge @!p0 [sflag:s8], $0x0  }
0x24: {  	s3 =	sadd.s32 $0x88, s3;
	s6 =	simm.s32 @!p1 $0x1082;
	[sflag:s4] =	ssyncset.s32 $0xFFFFF086  }
0x25: {  	[simem:s6], [sflag:s4] =	dma.local [hbm:s3], $0xF7A  }
0x26: {  	[smem:$0x3F9F] =	sst s1;
	(tag) =	ssettag s2;
	_ =	strace s9  }
0x27: {  	s1 =	sld [smem:$0x3FAF]  }
0x28: {  	s2 =	sld [smem:$0x3FB0]  }
0x29: {  	s4 =	sld [smem:$0x3FB2]  }
0x2a: {  	p0 =	seq.s32 s5, $0x0;
	s5 =	sld [smem:$0x3FB3]  }
0x2b: {  	s6 =	sld [smem:$0x3FB4]  }
0x2c: {  	s7 =	sld [smem:$0x3FB5]  }
0x2d: {  	s3 =	simm.s32 $0x108;
	s8 =	sld [smem:$0x3FB6]  }
0x2e: {  	s3 =	simm.s32 @!p0 $0x1082;
	s9 =	sld [smem:$0x3FB7]  }
0x2f: {  	lr =	sadd.s32 s0, s3;
	s0 =	sld [smem:$0x3FAE]  }
0x30: {  	s3 =	sld [smem:$0x3FB1]  }
0x31: {  	[smem:$0x3FBA] =	sst s10  }
0x32: {  	s10 =	sld [smem:$0x3FB8];
	_ =	sdelay $0x3  }
0x33: {  	p0 =	seq.s32 s10, $0x1;
	s10 =	sld [smem:$0x3FBA];
	_ =	sdelay $0x3  }
0x34: {  	[smem:$0x3FBA] =	sst s10  }
0x35: {  	s10 =	sld [smem:$0x3FB9];
	_ =	sdelay $0x3  }
0x36: {  	p1 =	seq.s32 s10, $0x1;
	s10 =	sld [smem:$0x3FBA];
	_ =	sdelay $0x3  }
0x37: {  	[smem:$0x3FBA] =	sst s10  }
0x38: {  	s10 =	sld [smem:$0x3FBB]  }
0x39: {  	_ = 	snop;
	(pc) =	sbr.ind lr, $3  }
0x3a: {  	_ = 	snop  }
0x3b: {  	_ = 	snop  }
0x3c: {  	p2 =	seq.s32 s10, $0x1;
	s10 =	sld [smem:$0x3FBA]  }
0x3d: {  	_ =	shalt  }
0x3e: {  	_ =	shalt  }
0x3f: {  	_ =	shalt  }
0x40: {  	_ =	shalt  }
0x41: {  	_ =	shalt  }
0x42: {  	_ =	shalt  }
0x43: {  	_ =	shalt  }
0x44: {  	_ =	shalt  }
0x45: {  	_ =	shalt  }
0x46: {  	_ =	shalt  }
0x47: {  	_ =	shalt  }
0x48: {  	_ =	shalt  }
0x49: {  	_ =	shalt  }
0x4a: {  	_ =	shalt  }
0x4b: {  	_ =	shalt  }
0x4c: {  	_ =	shalt  }
0x4d: {  	_ =	shalt  }
0x4e: {  	_ =	shalt  }
0x4f: {  	_ =	shalt  }
0x50: {  	_ =	shalt  }
0x51: {  	_ =	shalt  }
0x52: {  	_ =	shalt  }
0x53: {  	_ =	shalt  }
0x54: {  	_ =	shalt  }
0x55: {  	_ =	shalt  }
0x56: {  	_ =	shalt  }
0x57: {  	_ =	shalt  }
0x58: {  	_ =	shalt  }
0x59: {  	_ =	shalt  }
0x5a: {  	_ =	shalt  }
0x5b: {  	_ =	shalt  }
0x5c: {  	_ =	shalt  }
0x5d: {  	_ =	shalt  }
0x5e: {  	_ =	shalt  }
0x5f: {  	_ =	shalt  }
0x60: {  	_ =	shalt  }
0x61: {  	_ =	shalt  }
0x62: {  	_ =	shalt  }
0x63: {  	_ =	shalt  }
0x64: {  	_ =	shalt  }
0x65: {  	_ =	shalt  }
0x66: {  	_ =	shalt  }
0x67: {  	_ =	shalt  }
0x68: {  	_ =	shalt  }
0x69: {  	_ =	shalt  }
0x6a: {  	_ =	shalt  }
0x6b: {  	_ =	shalt  }
0x6c: {  	_ =	shalt  }
0x6d: {  	_ =	shalt  }
0x6e: {  	_ =	shalt  }
0x6f: {  	_ =	shalt  }
0x70: {  	_ =	shalt  }
0x71: {  	_ =	shalt  }
0x72: {  	_ =	shalt  }
0x73: {  	_ =	shalt  }
0x74: {  	_ =	shalt  }
0x75: {  	_ =	shalt  }
0x76: {  	_ =	shalt  }
0x77: {  	_ =	shalt  }
0x78: {  	_ =	shalt  }
0x79: {  	_ =	shalt  }
0x7a: {  	_ =	shalt  }
0x7b: {  	_ =	shalt  }
0x7c: {  	_ =	shalt  }
0x7d: {  	_ =	shalt  }
0x7e: {  	_ =	shalt  }
0x7f: {  	_ =	shalt  }
0x80: {  	_ =	shalt  }
0x81: {  	_ =	shalt  }
0x82: {  	_ =	shalt  }
0x83: {  	_ =	shalt  }
0x84: {  	_ =	shalt  }
0x85: {  	_ =	shalt  }
0x86: {  	_ =	shalt  }
0x87: {  	_ =	shalt  }
.Lfunc_end0:
.L_simem_size_0:
called_computation_lowered:
.L_overlay_start_0:
0x88: {  	s2 =	sld [smem:$0x3FD9]  }
0x89: {  	s3 =	sld [smem:$0x3FFE];
	_ =	sdelay $0x1  }
0x8a: {  	s1 =	srdreg.scid  }
0x8b: {  	s0 =	sand.u32 $0x1, s1  }
0x8c: {  	s17 =	sshll.u32 s0, $0xA;
	s2 =	sadd.s32 s3, s2  }
0x8d: {  	s2 =	sadd.s32 s2, s17  }
0x8e: {  	[smem:$0x3FC6] =	sst s2  }
0x8f: {  	_ = 	snop  }
0x90: {  	s2 =	sld [smem:$0x3FD0];
	(tm) =	ssettm $0x1  }
0x91: {  	s18 =	sld [smem:$0x3FFB];
	_ =	sdelay $0x3  }
0x92: {  	_ =	strace s18  }
0x93: {  	s3 =	sld [smem:$0x3FFC];
	_ =	sdelay $0x3  }
0x94: {  	_ =	strace s3  }
0x95: {  	s3 =	sld [smem:$0x3FFD];
	_ =	sdelay $0x3  }
0x96: {  	_ =	strace s3  }
0x97: {  	_ =	strace $0x8FFFFFFF  }
0x98: {  	s19 =	sld [smem:$0x3FDB];
	_ =	sdelay $0x1  }
0x99: {  	s4 =	simm.s32 $_scs_section_size  }
0x9a: {  	s5 =	simm.s32 $_size__tile_overlayer_lowered;
	s6 =	simm.s32 $_tile_overlayer_lowered  }
0x9b: {  	s22 =	simm.s32 $0x1BFF;
	s21 =	sshll.u32 s6, $0x1;
	s3 =	sadd.s32 s4, s19  }
0x9c: {  	s7 =	simm.s32 $0x0;
	s20 =	sshll.u32 s5, $0x1;
	s5 =	sadd.s32 s21, s3  }
0x9d: {  	[timem:s7], [sflag:s22] =	dma.local [hbm:s5], s20  }
0x9e: {  	_ =	swait.ge [sflag:s22], s20  }
0x9f: {  	s4 =	ssub.s32 $0x0, s20;
	[sflag:s22] =	ssyncset.done $0x0  }
0xa0: {  	[sflag:s22] =	ssyncadd.s32 s4;
	_ =	sdelay $0x1  }
0xa1: {  	s23 =	simm.s32 $0x1B8B  }
0xa2: {  	_ =	swait.ge [sflag:s23], $0x1  }
0xa3: {  	[sflag:s23] =	ssyncset.done $0x0  }
0xa4: {  	s25 =	simm.s32 $0x1B8E;
	s24 =	sld [smem:$0x3FFE];
	[sflag:s23] =	ssyncadd.s32 $0xFFFFFFFF  }
0xa5: {  	s26 =	simm.s32 $execute0_lowered;
	[smem:$0x3FD2] =	sst s25  }
0xa6: {  	s5 =	sshll.u32 s26, $0x1;
	_ =	strace $0x80000046;
	[dreg:$0x1] =	wrdreg $0xFFFFFFFF  }
0xa7: {  	s28 =	simm.s32 $_size_execute0_lowered;
	s3 =	sadd.s32 s3, s5;
	[dreg:$0x0] =	wrdreg $0x0  }
0xa8: {  	s5 =	sshll.u32 s28, $0x1;
	[dreg:$0x2] =	wrdreg s3  }
0xa9: {  	[dreg:$0x3] =	wrdreg s5  }
0xaa: {  	[dreg:$0x4] =	wrdreg $0xC0  }
0xab: {  	_ =	task [dreg:s7], $0x5FFFF  }
0xac: {  	[dreg:$0x1] =	wrdreg $0xFFFFFFFF  }
0xad: {  	[dreg:$0x0] =	wrdreg $0x60  }
0xae: {  	[dreg:$0x2] =	wrdreg s2  }
0xaf: {  	[dreg:$0x3] =	wrdreg s24  }
0xb0: {  	[dreg:$0x4] =	wrdreg $0x9  }
0xb1: {  	_ =	task.clear_ibuf [dreg:s7], $0x5FFFF;
	_ =	strace $0x90000046  }
0xb2: {  	s29 =	simm.s32 $0x9;
	_ =	strace $0x80000048  }
0xb3: {  	_ =	swait.ge [sflag:s29], $0x1  }
0xb4: {  	[sflag:s29] =	ssyncadd.s32 $0xFFFFFFFF  }
0xb5: {  	_ =	strace $0x90000048  }
0xb6: {  	_ =	sfence  }
0xb7: {  	s30 =	sld [smem:$0x0];
	_ =	sdelay $0x2  }
0xb8: {  	s31 =	sshll.u32 s1, $0xD;
	s1 =	sshrl.u32 s1, $0x2  }
0xb9: {  	s3 =	sand.u32 $0x4000, s31;
	s1 =	sadd.s32 s1, s30  }
0xba: {  	s0 =	sor.u32 s3, s0;
	s1 =	sshll.u32 s1, $0x11  }
0xbb: {  	s0 =	sor.u32 s1, s0  }
0xbc: {  	s0 =	sadd.s32 $0x8F2B, s0  }
0xbd: {  	[sflag:s0] =	ssyncadd.remote.s32 $0x1  }
0xbe: {  	_ =	sfence.sel $0xFFFF  }
0xbf: {  	[dreg:$0x0] =	wrdreg $0xFFFFFFFF;
	(pc) =	sbr.abs _section_cstart, $3  }
0xc0: {  	[dreg:$0x1] =	wrdreg $0xFFFFFFFF  }
0xc1: {  	_ =	task.clear_ibuf [dreg:s7], $0x2FFFF;
	_ =	strace $0x9FFFFFFF  }
0xc2: {  	(tm) =	ssettm $0x7FFFFFFF  }
0xc3: {  	_ =	shalt  }
tec
execute0_lowered:
.L_overlay_start_1:
0x0: {  	(tag) =	ssettag $0x1  }
0x1: {  	s1 =	rddreg [dreg:$0x0]  }
0x2: {  	s5 =	rddreg [dreg:$0x1];
	s2 =	srdreg.scid  }
0x3: {  	s0 =	rddreg [dreg:$0x2];
	s3 =	simm.s32 $0x0;
	s10 =	simm.s32 $0x0  }
0x4: {  	s6 =	sand.u32 $0x1, s2;
	[smem:$0x7FF] =	sst s3;
	s2 =	stileid.u32  }
0x5: {  	s4 =	sadd.s32 $0x400, s5;
	s5 =	sadd.s32 $0xC0400, s5;
	s7 =	ssub.s32 $0x2, s6  }
0x6: {  	_ =	strace $0x80000047;
	s9 =	sshll.u32 s2, $0x1;
	s8 =	sshrl.u32 s7, $0x1  }
0x7: {  	s6 =	sor.u32 s6, s9;
	s9 =	simm.s32 $0x6000;
	s7 =	ssub.s32 s7, s8  }
0x8: {  	s6 =	smul.u32 $0x30000, s6;
	s8 =	simm.s32 $0x1;
	s7 =	smax.u32 s7, $0x1  }
.LBB2_1:
0x9: {  	s11 =	simm.s32 $0x0  }
.LBB2_2:
0xa: {  	s12 =	smul.u32 $0x6000, s11;
	_ =	sdelay $0x1  }
0xb: {  	s12 =	sadd.s32 s6, s12  }
0xc: {  	s13 =	sshrl.u32 s12, $0x3  }
0xd: {  	s14 =	sadd.s32 s4, s13;
	s13 =	simm.s32 $0x0  }
0xe: {  	[tilespmem:s13], [sflag:$0x1] =	stream.linear.gather [hbm4b:s14+s13], $0x6000, $0x38;
	[tilespmem:$0xC000] =	vst v63  }
0xf: {  	_ =	swait.ge [sflag:s8], $0x6000  }
0x10: {  	[sflag:s8] =	ssyncset.done $0x0  }
0x11: {  	s14 =	simm.s32 $0x0;
	[sflag:s8] =	ssyncadd.s32 $0xFFFFA000  }
.LBB2_3:
0x12: {  	s15 =	smul.u32 $0x600000, s14;
	_ =	sdelay $0x1  }
0x13: {  	s15 =	sadd.s32 s12, s15  }
0x14: {  	s15 =	sshrl.u32 s15, $0x3  }
0x15: {  	s16 =	sadd.s32 s1, s15  }
0x16: {  	[tilespmem:s9], [sflag:$0x1] =	stream.linear.gather [hbm4b:s16+s13], $0x6000, $0x38;
	[tilespmem:$0xC000] =	vst v63  }
0x17: {  	_ =	swait.ge [sflag:s8], $0x6000  }
0x18: {  	[sflag:s8] =	ssyncset.done $0x0  }
0x19: {  	s16 =	simm.s32 $0x0;
	[sflag:s8] =	ssyncadd.s32 $0xFFFFA000  }
0x1a: {  	v5 =	vld [tilespmem:s16+$0x0]  }
0x1b: {  	v6 =	vld [tilespmem:s16+$0x10]  }
0x1c: {  	v1 =	vld [tilespmem:s16+$0x20]  }
0x1d: {  	v0 =	vld [tilespmem:s16+$0x30]  }
0x1e: {  	v2 =	vld [tilespmem:s16+$0x6000]  }
0x1f: {  	v4 =	vld [tilespmem:s16+$0x6010]  }
0x20: {  	s17 =	simm.s32 $0x100;
	v3 =	vld [tilespmem:s16+$0x6020]  }
.LBB2_4:
0x21: {  	s18 =	sshra.s32 s17, $0x2;
	p0 =	sne.s32 s17, $0x17F00;
	v7 =	vld [tilespmem:s16+$0x6030];
	v8 =	vmov v1  }
0x22: {  	v9 =	vld [tilespmem:s18+$0x0];
	v10 =	vmov v0  }
0x23: {  	v11 =	vld [tilespmem:s18+$0x10];
	v2 =	vadd.f32 v5, v2  }
.Ltmp0:
0x24: {  	v1 =	vld [tilespmem:s18+$0x20];
	v4 =	vadd.f32 v6, v4;
	(pc) =	sbr.rel @p0 .LBB2_4-.Ltmp0, $4  }
0x25: {  	v0 =	vld [tilespmem:s18+$0x30];
	[tilespmem:s16+$0x6000] =	vst v2;
	v3 =	vadd.f32 v8, v3  }
0x26: {  	v2 =	vld [tilespmem:s18+$0x6000];
	[tilespmem:s16+$0x6010] =	vst v4;
	v7 =	vadd.f32 v10, v7  }
0x27: {  	v4 =	vld [tilespmem:s18+$0x6010];
	[tilespmem:s16+$0x6020] =	vst v3;
	v5 =	vmov v9  }
0x28: {  	s17 =	sadd.s32 $0x100, s17;
	v3 =	vld [tilespmem:s18+$0x6020];
	[tilespmem:s16+$0x6030] =	vst v7;
	v6 =	vmov v11;
	s16 =	smov.u32 s18  }
0x29: {  	v7 =	vld [tilespmem:s16+$0x6030];
	_ =	sdelay $0x1  }
0x2a: {  	v2 =	vadd.f32 v5, v2  }
0x2b: {  	v4 =	vadd.f32 v6, v4  }
0x2c: {  	[tilespmem:s16+$0x6000] =	vst v2;
	v1 =	vadd.f32 v1, v3  }
0x2d: {  	s14 =	sadd.s32 $0x1, s14;
	[tilespmem:s16+$0x6010] =	vst v4;
	v0 =	vadd.f32 v0, v7  }
0x2e: {  	p0 =	sne.s32 s14, $0x4;
	[tilespmem:s16+$0x6020] =	vst v1  }
.Ltmp1:
0x2f: {  	s15 =	sadd.s32 s5, s15;
	[tilespmem:s16+$0x6030] =	vst v0;
	(pc) =	sbr.rel @p0 .LBB2_3-.Ltmp1, $4  }
0x30: {  	[hbm4b:s15+s3] =	stream.linear.scatter [tilespmem:s9], [sflag:$0x1], $0x6000, $0x38;
	[tilespmem:$0xC000] =	vst v63  }
0x31: {  	_ =	swait.ge [sflag:s8], $0x6000  }
0x32: {  	[sflag:s8] =	ssyncset.done $0x0  }
0x33: {  	[sflag:s8] =	ssyncadd.s32 $0xFFFFA000  }
0x34: {  	s11 =	sadd.s32 $0x1, s11  }
0x35: {  	p0 =	sne.s32 s11, $0x8  }
.Ltmp2:
0x36: {  	_ = 	snop;
	(pc) =	sbr.rel @p0 .LBB2_2-.Ltmp2, $1  }
0x37: {  	_ =	sdelay $0x3  }
0x38: {  	s10 =	sadd.s32 $0x1, s10  }
0x39: {  	p0 =	sne.s32 s10, s7  }
.Ltmp3:
0x3a: {  	_ = 	snop;
	(pc) =	sbr.rel @p0 .LBB2_1-.Ltmp3, $1  }
0x3b: {  	_ =	sdelay $0x3  }
0x3c: {  	_ =	sfence.sel $0x180000  }
0x3d: {  	[bflag:$0x0] =	sbarrier.arrive $0xFFFF  }
0x3e: {  	p0 =	sne.s32 s2, $0x0;
	_ =	strace $0x90000047  }
0x3f: {  	s0 =	sadd.s32 @!p0 $0x100000, s0;
	[bflag:$0x2] =	sbarrier.arrive $0xFFFF  }
0x40: {  	[sflag:s0] =	ssyncadd.tile.s32 @!p0 $0x1;
	_ =	shalt  }
.Lfunc_end2:
_tile_overlayer_lowered:
.L_overlay_start_2:
0x41: {  	(tag) =	ssettag $0x2  }
0x42: {  	s0 =	rddreg [dreg:$0x0];
	s2 =	stileid.u32  }
0x43: {  	s1 =	rddreg [dreg:$0x1];
	p0 =	sne.s32 s2, $0x0  }
0x44: {  	s3 =	rddreg [dreg:$0x2];
	[bflag:$0x3] =	sbarrier.arrive $0xFFFF;
	s2 =	simm.s32 @!p0 $0x1C01  }
0x45: {  	[timem:s3], [sflag:s2] =	dma.local @!p0 [hbm:s0], s1  }
0x46: {  	s0 =	simm.s32 @!p0 $0x1  }
0x47: {  	_ =	swait.ge @!p0 [sflag:s0], s1  }
0x48: {  	s1 =	ssub.s32 @!p0 $0x0, s1;
	[sflag:s0] =	ssyncset.done @!p0 $0x0  }
0x49: {  	[sflag:s0] =	ssyncadd.s32 @!p0 s1  }
0x4a: {  	[bflag:$0x3] =	sbarrier.arrive $0xFFFF  }
0x4b: {  	_ =	shalt  }

</sc_bundles>
